<compile_context>
chip_gen: v7x
topology: tpu7x:2x2x1
jax: 0.10.2.dev20260603
libtpu: 0.0.44.dev20260713+nightly
codegen_flags: <defaults>
</compile_context>

<pallas_src>
import functools

import jax
from jax import lax
import jax.numpy as jnp
from jax.experimental import pallas as pl
from jax.experimental.pallas import tpu as pltpu
from jax.experimental.pallas import tpu_sc as plsc

N_ALPHA = 23
N_EMB_SEQ = 256
N_EMB_PAIR = 128
MAX_GAP = 32
N_INDEX = 2 * MAX_GAP + 1
NROW = N_ALPHA + 1
TI = 64
NC = 2
NS = 16
NW = NC * NS


def _tc_prep_body(idx_ref, midx_ref, wlt_ref, wrt_ref, wpt_ref,
                  xl_ref, xr_ref, e_ref, *, BL):
    f32 = jnp.float32
    idx = idx_ref[...]
    midx = midx_ref[...]
    it_a = lax.broadcasted_iota(jnp.int32, (BL, NROW), 1)
    oh_a = (idx == it_a).astype(f32)
    it_e = lax.broadcasted_iota(jnp.int32, (BL, N_INDEX), 1)
    oh_e = (midx == it_e).astype(f32)
    xl_ref[...] = jnp.dot(oh_a, wlt_ref[...], preferred_element_type=f32)
    xr_ref[...] = jnp.dot(oh_a, wrt_ref[...], preferred_element_type=f32)
    e_ref[...] = jnp.dot(oh_e, wpt_ref[...], preferred_element_type=f32)


def _seq_body(idx_ref, wqt_ref, seq_ref, idx_v, rows_q, sem, *, RPW):
    wid = lax.axis_index("s") * NC + lax.axis_index("c")
    base = wid * RPW
    pltpu.sync_copy(idx_ref.at[pl.ds(base, RPW)], idx_v)
    pltpu.async_copy(wqt_ref.at[idx_v], rows_q, sem).wait()
    pltpu.sync_copy(rows_q, seq_ref.at[pl.ds(base, RPW)])


def _pair_body(xl_ref, xr_ref, e_ref, g_ref, b_ref, out_ref, *, L):
    i0 = pl.program_id(1) * TI
    xr = xr_ref[0]
    g = g_ref[...]
    bb = b_ref[...]
    ones = jnp.ones((N_EMB_PAIR, N_EMB_PAIR), jnp.float32)

    def row(ti, carry):
        xli = xl_ref[0, ti, :]
        start = (L - 1) - (i0 + ti)
        esl = e_ref[pl.ds(start, L), :]
        v = xli[None, :] + xr + esl
        ssq = jnp.dot(v * v, ones, preferred_element_type=jnp.float32)
        s = lax.rsqrt(ssq * (1.0 / N_EMB_PAIR) + 1e-5)
        out_ref[0, ti] = v * s * g + bb
        return carry

    jax.lax.fori_loop(0, TI, row, 0, unroll=8)


def kernel(seq_encoding, W_query, b_query, W_left, b_left, W_right, b_right,
           W_pos, b_pos, ln_q_g, ln_q_b, ln_p_g, ln_p_b, W_struc, b_struc,
           ln_out_g, ln_out_b):
    B, L = seq_encoding.shape
    BL = B * L
    RPW = BL // NW
    f32 = jnp.float32

    wqt = jnp.zeros((NROW, N_EMB_SEQ), f32).at[:N_ALPHA].set(W_query) \
        + (b_query + ln_q_b)[None, :]
    wlt = jnp.zeros((NROW, N_EMB_PAIR), f32).at[:N_ALPHA].set(W_left) \
        + b_left[None, :]
    wrt = jnp.zeros((NROW, N_EMB_PAIR), f32).at[:N_ALPHA].set(W_right) \
        + b_right[None, :]
    wpt = W_pos + (b_pos + ln_p_b + W_struc[0] + b_struc)[None, :]
    wlt = wlt - jnp.mean(wlt, axis=1, keepdims=True)
    wrt = wrt - jnp.mean(wrt, axis=1, keepdims=True)
    wpt = wpt - jnp.mean(wpt, axis=1, keepdims=True)
    idx = seq_encoding.astype(jnp.int32).reshape(BL)
    midx = jnp.clip(jnp.arange(BL, dtype=jnp.int32) - (L - 1),
                    -MAX_GAP, MAX_GAP) + MAX_GAP

    mesh = plsc.VectorSubcoreMesh(core_axis_name="c", subcore_axis_name="s")

    xl, xr, etab = pl.pallas_call(
        functools.partial(_tc_prep_body, BL=BL),
        out_shape=(
            jax.ShapeDtypeStruct((BL, N_EMB_PAIR), f32),
            jax.ShapeDtypeStruct((BL, N_EMB_PAIR), f32),
            jax.ShapeDtypeStruct((BL, N_EMB_PAIR), f32),
        ),
    )(idx.reshape(BL, 1), midx.reshape(BL, 1), wlt, wrt, wpt)

    seqk = functools.partial(
        pl.kernel,
        mesh=mesh,
        out_type=jax.ShapeDtypeStruct((BL, N_EMB_SEQ), f32),
        scratch_types=[
            pltpu.VMEM((RPW,), jnp.int32),
            pltpu.VMEM((RPW, N_EMB_SEQ), f32),
            pltpu.SemaphoreType.DMA,
        ],
    )(functools.partial(_seq_body, RPW=RPW))
    seq_flat = seqk(idx, wqt)

    xl3 = xl.reshape(B, L, N_EMB_PAIR)
    xr3 = xr.reshape(B, L, N_EMB_PAIR)
    g2 = ln_out_g.reshape(1, N_EMB_PAIR)
    b2 = ln_out_b.reshape(1, N_EMB_PAIR)

    pair = pl.pallas_call(
        functools.partial(_pair_body, L=L),
        grid=(B, L // TI),
        in_specs=[
            pl.BlockSpec((1, TI, N_EMB_PAIR), lambda b, i: (b, i, 0)),
            pl.BlockSpec((1, L, N_EMB_PAIR), lambda b, i: (b, 0, 0)),
            pl.BlockSpec((BL, N_EMB_PAIR), lambda b, i: (0, 0)),
            pl.BlockSpec((1, N_EMB_PAIR), lambda b, i: (0, 0)),
            pl.BlockSpec((1, N_EMB_PAIR), lambda b, i: (0, 0)),
        ],
        out_specs=pl.BlockSpec((1, TI, L, N_EMB_PAIR),
                               lambda b, i: (b, i, 0, 0)),
        out_shape=jax.ShapeDtypeStruct((B, L, L, N_EMB_PAIR), f32),
    )(xl3, xr3, etab, g2, b2)

    seq_out = seq_flat.reshape(B, 1, L, N_EMB_SEQ)
    return (seq_out, pair)

# --- scband reference (transcript-rebuilt; emitter-appended) ---
"""Pipeline reference for scband-embedding-module-23416161698180 (READ-ONLY COPY).

The authoritative reference and input builder live on the scoring server;
editing this copy changes nothing except your own understanding.
"""

import jax, jax.numpy as jnp
import numpy as np

N_ALPHABET = 23
N_EMB_SEQ = 256
N_EMB_PAIR = 128
MAX_GAP = 32
N_INDEX = 2 * MAX_GAP + 1
BINS = jnp.array([2.5, 3.75, 5.0, 6.25, 7.5, 8.75, 10.0, 11.25, 12.5, 13.75, 15.0, 16.25, 17.5, 18.75, 20.0, 21.25], dtype=jnp.float32)
N_BINS = 16
B, L = 2, 384


def _ln(x, g, b, eps=1e-5):
    m = jnp.mean(x, axis=-1, keepdims=True)
    v = jnp.mean((x - m) ** 2, axis=-1, keepdims=True)
    return (x - m) / jnp.sqrt(v + eps) * g + b


def _lin_w(k, fi, fo):
    return (jax.random.uniform(k, (fi, fo), jnp.float32) * 2.0 - 1.0) / np.sqrt(fi)


def setup_inputs(seed: int = 0):
    key = jax.random.key(seed)
    ks = jax.random.split(key, 8)
    d = {}
    d["seq_encoding"] = jax.random.randint(ks[0], (B, L), 0, N_ALPHABET + 1)
    d["W_query"] = _lin_w(ks[1], N_ALPHABET, N_EMB_SEQ)
    d["b_query"] = jnp.zeros((N_EMB_SEQ,), jnp.float32)
    d["W_left"] = _lin_w(ks[2], N_ALPHABET, N_EMB_PAIR)
    d["b_left"] = jnp.zeros((N_EMB_PAIR,), jnp.float32)
    d["W_right"] = _lin_w(ks[3], N_ALPHABET, N_EMB_PAIR)
    d["b_right"] = jnp.zeros((N_EMB_PAIR,), jnp.float32)
    d["W_pos"] = _lin_w(ks[4], N_INDEX, N_EMB_PAIR)
    d["b_pos"] = jnp.zeros((N_EMB_PAIR,), jnp.float32)
    d["ln_q_g"] = jnp.ones((N_EMB_SEQ,), jnp.float32)
    d["ln_q_b"] = jnp.zeros((N_EMB_SEQ,), jnp.float32)
    d["ln_p_g"] = jnp.ones((N_EMB_PAIR,), jnp.float32)
    d["ln_p_b"] = jnp.zeros((N_EMB_PAIR,), jnp.float32)
    d["W_struc"] = _lin_w(ks[5], N_BINS + 1, N_EMB_PAIR)
    d["b_struc"] = jnp.zeros((N_EMB_PAIR,), jnp.float32)
    d["ln_out_g"] = jnp.ones((N_EMB_PAIR,), jnp.float32)
    d["ln_out_b"] = jnp.zeros((N_EMB_PAIR,), jnp.float32)
    return d


def reference(seq_encoding, W_query, b_query, W_left, b_left, W_right, b_right, W_pos, b_pos, ln_q_g, ln_q_b, ln_p_g, ln_p_b, W_struc, b_struc, ln_out_g, ln_out_b):
    Bn, Ln = seq_encoding.shape
    # onehot: eye(n_alphabet+1)[idx][..., :n_alphabet]  (embedding-style gather)
    oh = jnp.eye(N_ALPHABET + 1, dtype=jnp.float32)[seq_encoding][..., :N_ALPHABET]
    seq_emb = oh @ W_query + b_query                      # [B, L, 256]
    x_left = oh @ W_left + b_left                         # [B, L, 128]
    x_right = oh @ W_right + b_right                      # [B, L, 128]
    pair = x_left[:, :, None, :] + x_right[:, None, :, :]  # [B, L, L, 128]
    # relative positional encoding 2D
    idxs = jnp.arange(Ln)[None, :]
    pos2d = jnp.clip(idxs[:, None, :] - idxs[:, :, None], -MAX_GAP, MAX_GAP) + MAX_GAP
    pos_oh = jnp.eye(N_INDEX, dtype=jnp.float32)[pos2d]   # [1, L, L, 65] gather
    pair = pair + (pos_oh @ W_pos + b_pos)
    # recycle features (first iteration: zeros) passed through LayerNorm
    prev_q = _ln(jnp.zeros_like(seq_emb), ln_q_g, ln_q_b)
    seq_emb = seq_emb + prev_q
    prev_p = _ln(jnp.zeros_like(pair), ln_p_g, ln_p_b)
    pair = pair + prev_p
    # structure distance embedding (first iteration: zero distances -> bin 0)
    prev_dist = jnp.zeros((Bn, Ln, Ln), jnp.float32)
    dbin = jnp.sum(prev_dist[..., None] > BINS, axis=-1)
    dist_oh = jnp.eye(N_BINS + 1, dtype=jnp.float32)[dbin]
    pair = pair + (dist_oh @ W_struc + b_struc)
    # PLMModule with empty plm_models: only final pair LayerNorm (not only_esm1b)
    pair = _ln(pair, ln_out_g, ln_out_b)
    seq_out = seq_emb[:, None, :, :]                      # unsqueeze(1)
    return (seq_out, pair)

if __name__ == "__main__":
    import jax
    _d = setup_inputs()
    print(jax.jit(kernel)(*tuple(_d.values())))

</pallas_src>

<mosaic_0001>
#map = affine_map<(d0, d1) -> (0)>
#map1 = affine_map<(d0, d1) -> (0, 0)>
module attributes {stable_mosaic.version = 14 : i64} {
  func.func @_seq_body(%arg0: i32, %arg1: i32, %arg2: memref<768xi32, #tpu.memory_space<hbm>>, %arg3: memref<24x256xf32, #tpu.memory_space<hbm>>, %arg4: memref<768x256xf32, #tpu.memory_space<hbm>>, %arg5: memref<24xi32, #tpu.memory_space<vmem>>, %arg6: memref<24x256xf32, #tpu.memory_space<vmem>>, %arg7: memref<!tpu.dma_semaphore, #tpu.memory_space<semaphore_mem>>) attributes {dimension_semantics = [#tpu.dimension_semantics<core_parallel>, #tpu.dimension_semantics<subcore_parallel>], iteration_bounds = array<i64: 2, 16>, scalar_prefetch = 0 : i64, scratch_operands = 3 : i64, tpu.core_type = #tpu.core_type<sc_vector_subcore>, window_params = [{transform_indices = #map}, {transform_indices = #map1}, {transform_indices = #map1}]} {
    %mul3A = arith.constant 2 : i32
    %mul3A_0 = arith.muli %arg1, %mul3A : i32
    %add3A = arith.addi %mul3A_0, %arg0 : i32
    %mul3A_1 = arith.constant 24 : i32
    %mul3A_2 = arith.muli %add3A, %mul3A_1 : i32
    "tpu.region"() ({
      %run_scoped3A = tpu.sem_alloc : memref<!tpu.dma_semaphore, #tpu.memory_space<semaphore_mem>>
      %dma_start3A_7 = tpu.memref_slice %arg2[%mul3A_2] : memref<768xi32, #tpu.memory_space<hbm>> -> memref<24xi32, #tpu.memory_space<hbm>>
      %dma_start3A_8 = tpu.memref_slice %arg2[%mul3A_2] : memref<768xi32, #tpu.memory_space<hbm>> -> memref<24xi32, #tpu.memory_space<hbm>>
      tpu.enqueue_dma source(%dma_start3A_8 : memref<24xi32, #tpu.memory_space<hbm>>) target(%arg5 : memref<24xi32, #tpu.memory_space<vmem>>) target_semaphore(%run_scoped3A : memref<!tpu.dma_semaphore, #tpu.memory_space<semaphore_mem>>)
      %dma_wait3A_9 = tpu.memref_slice %arg2[%mul3A_2] : memref<768xi32, #tpu.memory_space<hbm>> -> memref<24xi32, #tpu.memory_space<hbm>>
      %dma_wait3A_10 = tpu.memref_slice %arg2[%mul3A_2] : memref<768xi32, #tpu.memory_space<hbm>> -> memref<24xi32, #tpu.memory_space<hbm>>
      tpu.wait_dma2 semaphore(%run_scoped3A : memref<!tpu.dma_semaphore, #tpu.memory_space<semaphore_mem>>) src(%dma_wait3A_10 : memref<24xi32, #tpu.memory_space<hbm>>) dst(%arg5 : memref<24xi32, #tpu.memory_space<vmem>>)
      tpu.yield
    }) : () -> ()
    %dma_start3A = arith.constant 0 : i32
    %dma_start3A_3 = arith.constant 0 : i32
    %dma_start3A_4 = tpu.memref_slice %arg3[%dma_start3A, %dma_start3A_3] : memref<24x256xf32, #tpu.memory_space<hbm>> -> memref<24x256xf32, #tpu.memory_space<hbm>>
    tpu.enqueue_indirect_dma source(%dma_start3A_4 : memref<24x256xf32, #tpu.memory_space<hbm>>) target(%arg6 : memref<24x256xf32, #tpu.memory_space<vmem>>) offsets(%arg5 : memref<24xi32, #tpu.memory_space<vmem>>) semaphore(%arg7 : memref<!tpu.dma_semaphore, #tpu.memory_space<semaphore_mem>>)
    %dma_wait3A = arith.constant 0 : i32
    %dma_wait3A_5 = arith.constant 0 : i32
    %dma_wait3A_6 = tpu.memref_slice %arg3[%dma_wait3A, %dma_wait3A_5] : memref<24x256xf32, #tpu.memory_space<hbm>> -> memref<24x256xf32, #tpu.memory_space<hbm>>
    tpu.wait_indirect_dma semaphore(%arg7 : memref<!tpu.dma_semaphore, #tpu.memory_space<semaphore_mem>>) src(%dma_wait3A_6 : memref<24x256xf32, #tpu.memory_space<hbm>>) dst(%arg6 : memref<24x256xf32, #tpu.memory_space<vmem>>)
    "tpu.region"() ({
      %run_scoped3A = tpu.sem_alloc : memref<!tpu.dma_semaphore, #tpu.memory_space<semaphore_mem>>
      %dma_start3A_7 = arith.constant 0 : i32
      %dma_start3A_8 = tpu.memref_slice %arg4[%mul3A_2, %dma_start3A_7] : memref<768x256xf32, #tpu.memory_space<hbm>> -> memref<24x256xf32, #tpu.memory_space<hbm>>
      %dma_start3A_9 = arith.constant 0 : i32
      %dma_start3A_10 = tpu.memref_slice %arg4[%mul3A_2, %dma_start3A_9] : memref<768x256xf32, #tpu.memory_space<hbm>> -> memref<24x256xf32, #tpu.memory_space<hbm>>
      tpu.enqueue_dma source(%arg6 : memref<24x256xf32, #tpu.memory_space<vmem>>) target(%dma_start3A_10 : memref<24x256xf32, #tpu.memory_space<hbm>>) target_semaphore(%run_scoped3A : memref<!tpu.dma_semaphore, #tpu.memory_space<semaphore_mem>>)
      %dma_wait3A_11 = arith.constant 0 : i32
      %dma_wait3A_12 = tpu.memref_slice %arg4[%mul3A_2, %dma_wait3A_11] : memref<768x256xf32, #tpu.memory_space<hbm>> -> memref<24x256xf32, #tpu.memory_space<hbm>>
      %dma_wait3A_13 = arith.constant 0 : i32
      %dma_wait3A_14 = tpu.memref_slice %arg4[%mul3A_2, %dma_wait3A_13] : memref<768x256xf32, #tpu.memory_space<hbm>> -> memref<24x256xf32, #tpu.memory_space<hbm>>
      tpu.wait_dma2 semaphore(%run_scoped3A : memref<!tpu.dma_semaphore, #tpu.memory_space<semaphore_mem>>) src(%arg6 : memref<24x256xf32, #tpu.memory_space<vmem>>) dst(%dma_wait3A_14 : memref<24x256xf32, #tpu.memory_space<hbm>>)
      tpu.yield
    }) : () -> ()
    return
  }
}

module attributes {stable_mosaic.version = 14 : i64} {
  func.func @_tc_prep_body(%arg0: memref<768x1xi32, #tpu.memory_space<vmem>>, %arg1: memref<768x1xi32, #tpu.memory_space<vmem>>, %arg2: memref<24x128xf32, #tpu.memory_space<vmem>>, %arg3: memref<24x128xf32, #tpu.memory_space<vmem>>, %arg4: memref<65x128xf32, #tpu.memory_space<vmem>>, %arg5: memref<768x128xf32, #tpu.memory_space<vmem>>, %arg6: memref<768x128xf32, #tpu.memory_space<vmem>>, %arg7: memref<768x128xf32, #tpu.memory_space<vmem>>) attributes {dimension_semantics = [], scalar_prefetch = 0 : i64, scratch_operands = 0 : i64, tpu.core_type = #tpu.core_type<tc>} {
    %get3A = arith.constant 0 : index
    %get3A_0 = arith.constant 0 : index
    %get3A_1 = vector.load %arg0[%get3A, %get3A_0] : memref<768x1xi32, #tpu.memory_space<vmem>>, vector<768x1xi32>
    %get3A_2 = arith.constant 0 : index
    %get3A_3 = arith.constant 0 : index
    %get3A_4 = vector.load %arg1[%get3A_2, %get3A_3] : memref<768x1xi32, #tpu.memory_space<vmem>>, vector<768x1xi32>
    %iota3A = tpu.iota {dimensions = array<i32: 1>} : vector<768x24xi32>
    %eq3A = vector.broadcast %get3A_1 : vector<768x1xi32> to vector<768x24xi32>
    %eq3A_5 = arith.cmpi eq, %eq3A, %iota3A : vector<768x24xi32>
    %convert_element_type3A = arith.extui %eq3A_5 : vector<768x24xi1> to vector<768x24xi32>
    %convert_element_type3A_6 = arith.sitofp %convert_element_type3A : vector<768x24xi32> to vector<768x24xf32>
    %iota3A_7 = tpu.iota {dimensions = array<i32: 1>} : vector<768x65xi32>
    %eq3A_8 = vector.broadcast %get3A_4 : vector<768x1xi32> to vector<768x65xi32>
    %eq3A_9 = arith.cmpi eq, %eq3A_8, %iota3A_7 : vector<768x65xi32>
    %convert_element_type3A_10 = arith.extui %eq3A_9 : vector<768x65xi1> to vector<768x65xi32>
    %convert_element_type3A_11 = arith.sitofp %convert_element_type3A_10 : vector<768x65xi32> to vector<768x65xf32>
    %get3A_12 = arith.constant 0 : index
    %get3A_13 = arith.constant 0 : index
    %get3A_14 = vector.load %arg2[%get3A_12, %get3A_13] : memref<24x128xf32, #tpu.memory_space<vmem>>, vector<24x128xf32>
    %dot_general3A = arith.constant dense<0.000000e+00> : vector<768x128xf32>
    %dot_general3A_15 = tpu.matmul %convert_element_type3A_6, %get3A_14, %dot_general3A {dimension_numbers = #tpu.dot_dimension_numbers<[1], [0], [0], [1], [0, 0, 1, 1], [], []>, transpose_lhs_hint = false} : vector<768x24xf32>, vector<24x128xf32>, vector<768x128xf32> -> vector<768x128xf32>
    %swap3A = arith.constant 0 : index
    %swap3A_16 = arith.constant 0 : index
    %swap3A_17 = vector.load %arg5[%swap3A, %swap3A_16] : memref<768x128xf32, #tpu.memory_space<vmem>>, vector<768x128xf32>
    tpu.vector_store %arg5[%swap3A, %swap3A_16], %dot_general3A_15 {strides = array<i32>} : memref<768x128xf32, #tpu.memory_space<vmem>>, vector<768x128xf32>,
    %get3A_18 = arith.constant 0 : index
    %get3A_19 = arith.constant 0 : index
    %get3A_20 = vector.load %arg3[%get3A_18, %get3A_19] : memref<24x128xf32, #tpu.memory_space<vmem>>, vector<24x128xf32>
    %dot_general3A_21 = arith.constant dense<0.000000e+00> : vector<768x128xf32>
    %dot_general3A_22 = tpu.matmul %convert_element_type3A_6, %get3A_20, %dot_general3A_21 {dimension_numbers = #tpu.dot_dimension_numbers<[1], [0], [0], [1], [0, 0, 1, 1], [], []>, transpose_lhs_hint = false} : vector<768x24xf32>, vector<24x128xf32>, vector<768x128xf32> -> vector<768x128xf32>
    %swap3A_23 = arith.constant 0 : index
    %swap3A_24 = arith.constant 0 : index
    %swap3A_25 = vector.load %arg6[%swap3A_23, %swap3A_24] : memref<768x128xf32, #tpu.memory_space<vmem>>, vector<768x128xf32>
    tpu.vector_store %arg6[%swap3A_23, %swap3A_24], %dot_general3A_22 {strides = array<i32>} : memref<768x128xf32, #tpu.memory_space<vmem>>, vector<768x128xf32>,
    %get3A_26 = arith.constant 0 : index
    %get3A_27 = arith.constant 0 : index
    %get3A_28 = vector.load %arg4[%get3A_26, %get3A_27] : memref<65x128xf32, #tpu.memory_space<vmem>>, vector<65x128xf32>
    %dot_general3A_29 = arith.constant dense<0.000000e+00> : vector<768x128xf32>
    %dot_general3A_30 = tpu.matmul %convert_element_type3A_11, %get3A_28, %dot_general3A_29 {dimension_numbers = #tpu.dot_dimension_numbers<[1], [0], [0], [1], [0, 0, 1, 1], [], []>, transpose_lhs_hint = false} : vector<768x65xf32>, vector<65x128xf32>, vector<768x128xf32> -> vector<768x128xf32>
    %swap3A_31 = arith.constant 0 : index
    %swap3A_32 = arith.constant 0 : index
    %swap3A_33 = vector.load %arg7[%swap3A_31, %swap3A_32] : memref<768x128xf32, #tpu.memory_space<vmem>>, vector<768x128xf32>
    tpu.vector_store %arg7[%swap3A_31, %swap3A_32], %dot_general3A_30 {strides = array<i32>} : memref<768x128xf32, #tpu.memory_space<vmem>>, vector<768x128xf32>,
    return
  }
}

module attributes {stable_mosaic.version = 14 : i64} {
  func.func @_pair_body(%arg0: i32, %arg1: i32, %arg2: memref<1x64x128xf32, #tpu.memory_space<vmem>>, %arg3: memref<1x384x128xf32, #tpu.memory_space<vmem>>, %arg4: memref<768x128xf32, #tpu.memory_space<vmem>>, %arg5: memref<1x128xf32, #tpu.memory_space<vmem>>, %arg6: memref<1x128xf32, #tpu.memory_space<vmem>>, %arg7: memref<1x64x384x128xf32, #tpu.memory_space<vmem>>) attributes {dimension_semantics = [#tpu.dimension_semantics<arbitrary>, #tpu.dimension_semantics<arbitrary>], iteration_bounds = array<i64: 2, 6>, scalar_prefetch = 0 : i64, scratch_operands = 0 : i64, tpu.core_type = #tpu.core_type<tc>, window_params = [{transform_indices = @transform_0, window_bounds = array<i64: 1, 64, 128>}, {transform_indices = @transform_1, window_bounds = array<i64: 1, 384, 128>}, {pipeline_mode = #tpu.pipeline_mode<synchronous>, transform_indices = @transform_2, window_bounds = array<i64: 768, 128>}, {pipeline_mode = #tpu.pipeline_mode<synchronous>, transform_indices = @transform_3, window_bounds = array<i64: 1, 128>}, {pipeline_mode = #tpu.pipeline_mode<synchronous>, transform_indices = @transform_4, window_bounds = array<i64: 1, 128>}, {transform_indices = @transform_5, window_bounds = array<i64: 1, 64, 384, 128>}]} {
    %mul3A = arith.constant 64 : i32
    %mul3A_0 = arith.muli %arg1, %mul3A : i32
    %get3A = arith.constant 0 : index
    %get3A_1 = arith.constant 0 : index
    %get3A_2 = arith.constant 0 : index
    %get3A_3 = vector.load %arg3[%get3A, %get3A_1, %get3A_2] : memref<1x384x128xf32, #tpu.memory_space<vmem>>, vector<1x384x128xf32>
    %get3A_4 = vector.shape_cast %get3A_3 : vector<1x384x128xf32> to vector<384x128xf32>
    %get3A_5 = arith.constant 0 : index
    %get3A_6 = arith.constant 0 : index
    %get3A_7 = vector.load %arg5[%get3A_5, %get3A_6] : memref<1x128xf32, #tpu.memory_space<vmem>>, vector<1x128xf32>
    %get3A_8 = arith.constant 0 : index
    %get3A_9 = arith.constant 0 : index
    %get3A_10 = vector.load %arg6[%get3A_8, %get3A_9] : memref<1x128xf32, #tpu.memory_space<vmem>>, vector<1x128xf32>
    %broadcast_in_dim3A = arith.constant 1.000000e+00 : f32
    %broadcast_in_dim3A_11 = vector.broadcast %broadcast_in_dim3A : f32 to vector<128x128xf32>
    %scan3A = arith.constant 0 : i32
    %scan3A_12 = arith.constant 64 : i32
    %scan3A_13 = arith.addi %scan3A, %scan3A_12 : i32
    %scan3A_14 = arith.constant 8 : i32
    scf.for %scan3A_16 = %scan3A to %scan3A_13 step %scan3A_14  : i32 {
      %get3A_17 = arith.constant 0 : index
      %get3A_18 = arith.index_cast %scan3A_16 : i32 to index
      %get3A_19 = arith.constant 0 : index
      %get3A_20 = vector.load %arg2[%get3A_17, %get3A_18, %get3A_19] : memref<1x64x128xf32, #tpu.memory_space<vmem>>, vector<1x1x128xf32>
      %get3A_21 = vector.shape_cast %get3A_20 : vector<1x1x128xf32> to vector<128xf32>
      %add3A = arith.addi %mul3A_0, %scan3A_16 : i32
      %sub3A = arith.constant 383 : i32
      %sub3A_22 = arith.subi %sub3A, %add3A : i32
      %get3A_23 = arith.index_cast %sub3A_22 : i32 to index
      %get3A_24 = arith.constant 0 : index
      %get3A_25 = vector.load %arg4[%get3A_23, %get3A_24] : memref<768x128xf32, #tpu.memory_space<vmem>>, vector<384x128xf32>
      %broadcast_in_dim3A_26 = vector.shape_cast %get3A_21 : vector<128xf32> to vector<1x128xf32>
      %add3A_27 = vector.broadcast %broadcast_in_dim3A_26 : vector<1x128xf32> to vector<384x128xf32>
      %add3A_28 = arith.addf %add3A_27, %get3A_4 : vector<384x128xf32>
      %add3A_29 = arith.addf %add3A_28, %get3A_25 : vector<384x128xf32>
      %mul3A_30 = arith.mulf %add3A_29, %add3A_29 : vector<384x128xf32>
      %dot_general3A = arith.constant dense<0.000000e+00> : vector<384x128xf32>
      %dot_general3A_31 = tpu.matmul %mul3A_30, %broadcast_in_dim3A_11, %dot_general3A {dimension_numbers = #tpu.dot_dimension_numbers<[1], [0], [0], [1], [0, 0, 1, 1], [], []>, transpose_lhs_hint = false} : vector<384x128xf32>, vector<128x128xf32>, vector<384x128xf32> -> vector<384x128xf32>
      %mul3A_32 = arith.constant 7.812500e-03 : f32
      %mul3A_33 = vector.broadcast %mul3A_32 : f32 to vector<384x128xf32>
      %mul3A_34 = arith.mulf %dot_general3A_31, %mul3A_33 : vector<384x128xf32>
      %add3A_35 = arith.constant 9.99999974E-6 : f32
      %add3A_36 = vector.broadcast %add3A_35 : f32 to vector<384x128xf32>
      %add3A_37 = arith.addf %mul3A_34, %add3A_36 : vector<384x128xf32>
      %rsqrt3A = math.rsqrt %add3A_37 : vector<384x128xf32>
      %mul3A_38 = arith.mulf %add3A_29, %rsqrt3A : vector<384x128xf32>
      %mul3A_39 = vector.broadcast %get3A_7 : vector<1x128xf32> to vector<384x128xf32>
      %mul3A_40 = arith.mulf %mul3A_38, %mul3A_39 : vector<384x128xf32>
      %add3A_41 = vector.broadcast %get3A_10 : vector<1x128xf32> to vector<384x128xf32>
      %add3A_42 = arith.addf %mul3A_40, %add3A_41 : vector<384x128xf32>
      %swap3A = arith.constant 0 : index
      %swap3A_43 = arith.index_cast %scan3A_16 : i32 to index
      %swap3A_44 = arith.constant 0 : index
      %swap3A_45 = arith.constant 0 : index
      %swap3A_46 = vector.load %arg7[%swap3A, %swap3A_43, %swap3A_44, %swap3A_45] : memref<1x64x384x128xf32, #tpu.memory_space<vmem>>, vector<1x1x384x128xf32>
      %swap3A_47 = vector.shape_cast %swap3A_46 : vector<1x1x384x128xf32> to vector<384x128xf32>
      %swap3A_48 = vector.shape_cast %add3A_42 : vector<384x128xf32> to vector<1x1x384x128xf32>
      tpu.vector_store %arg7[%swap3A, %swap3A_43, %swap3A_44, %swap3A_45], %swap3A_48 {strides = array<i32>} : memref<1x64x384x128xf32, #tpu.memory_space<vmem>>, vector<1x1x384x128xf32>,
      %scan3A_49 = arith.constant 1 : i32
      %scan3A_50 = arith.addi %scan3A_16, %scan3A_49 : i32
      %get3A_51 = arith.constant 0 : index
      %get3A_52 = arith.index_cast %scan3A_50 : i32 to index
      %get3A_53 = arith.constant 0 : index
      %get3A_54 = vector.load %arg2[%get3A_51, %get3A_52, %get3A_53] : memref<1x64x128xf32, #tpu.memory_space<vmem>>, vector<1x1x128xf32>
      %get3A_55 = vector.shape_cast %get3A_54 : vector<1x1x128xf32> to vector<128xf32>
      %add3A_56 = arith.addi %mul3A_0, %scan3A_50 : i32
      %sub3A_57 = arith.constant 383 : i32
      %sub3A_58 = arith.subi %sub3A_57, %add3A_56 : i32
      %get3A_59 = arith.index_cast %sub3A_58 : i32 to index
      %get3A_60 = arith.constant 0 : index
      %get3A_61 = vector.load %arg4[%get3A_59, %get3A_60] : memref<768x128xf32, #tpu.memory_space<vmem>>, vector<384x128xf32>
      %broadcast_in_dim3A_62 = vector.shape_cast %get3A_55 : vector<128xf32> to vector<1x128xf32>
      %add3A_63 = vector.broadcast %broadcast_in_dim3A_62 : vector<1x128xf32> to vector<384x128xf32>
      %add3A_64 = arith.addf %add3A_63, %get3A_4 : vector<384x128xf32>
      %add3A_65 = arith.addf %add3A_64, %get3A_61 : vector<384x128xf32>
      %mul3A_66 = arith.mulf %add3A_65, %add3A_65 : vector<384x128xf32>
      %dot_general3A_67 = arith.constant dense<0.000000e+00> : vector<384x128xf32>
      %dot_general3A_68 = tpu.matmul %mul3A_66, %broadcast_in_dim3A_11, %dot_general3A_67 {dimension_numbers = #tpu.dot_dimension_numbers<[1], [0], [0], [1], [0, 0, 1, 1], [], []>, transpose_lhs_hint = false} : vector<384x128xf32>, vector<128x128xf32>, vector<384x128xf32> -> vector<384x128xf32>
      %mul3A_69 = arith.constant 7.812500e-03 : f32
      %mul3A_70 = vector.broadcast %mul3A_69 : f32 to vector<384x128xf32>
      %mul3A_71 = arith.mulf %dot_general3A_68, %mul3A_70 : vector<384x128xf32>
      %add3A_72 = arith.constant 9.99999974E-6 : f32
      %add3A_73 = vector.broadcast %add3A_72 : f32 to vector<384x128xf32>
      %add3A_74 = arith.addf %mul3A_71, %add3A_73 : vector<384x128xf32>
      %rsqrt3A_75 = math.rsqrt %add3A_74 : vector<384x128xf32>
      %mul3A_76 = arith.mulf %add3A_65, %rsqrt3A_75 : vector<384x128xf32>
      %mul3A_77 = vector.broadcast %get3A_7 : vector<1x128xf32> to vector<384x128xf32>
      %mul3A_78 = arith.mulf %mul3A_76, %mul3A_77 : vector<384x128xf32>
      %add3A_79 = vector.broadcast %get3A_10 : vector<1x128xf32> to vector<384x128xf32>
      %add3A_80 = arith.addf %mul3A_78, %add3A_79 : vector<384x128xf32>
      %swap3A_81 = arith.constant 0 : index
      %swap3A_82 = arith.index_cast %scan3A_50 : i32 to index
      %swap3A_83 = arith.constant 0 : index
      %swap3A_84 = arith.constant 0 : index
      %swap3A_85 = vector.load %arg7[%swap3A_81, %swap3A_82, %swap3A_83, %swap3A_84] : memref<1x64x384x128xf32, #tpu.memory_space<vmem>>, vector<1x1x384x128xf32>
      %swap3A_86 = vector.shape_cast %swap3A_85 : vector<1x1x384x128xf32> to vector<384x128xf32>
      %swap3A_87 = vector.shape_cast %add3A_80 : vector<384x128xf32> to vector<1x1x384x128xf32>
      tpu.vector_store %arg7[%swap3A_81, %swap3A_82, %swap3A_83, %swap3A_84], %swap3A_87 {strides = array<i32>} : memref<1x64x384x128xf32, #tpu.memory_space<vmem>>, vector<1x1x384x128xf32>,
      %scan3A_88 = arith.constant 2 : i32
      %scan3A_89 = arith.addi %scan3A_16, %scan3A_88 : i32
      %get3A_90 = arith.constant 0 : index
      %get3A_91 = arith.index_cast %scan3A_89 : i32 to index
      %get3A_92 = arith.constant 0 : index
      %get3A_93 = vector.load %arg2[%get3A_90, %get3A_91, %get3A_92] : memref<1x64x128xf32, #tpu.memory_space<vmem>>, vector<1x1x128xf32>
      %get3A_94 = vector.shape_cast %get3A_93 : vector<1x1x128xf32> to vector<128xf32>
      %add3A_95 = arith.addi %mul3A_0, %scan3A_89 : i32
      %sub3A_96 = arith.constant 383 : i32
      %sub3A_97 = arith.subi %sub3A_96, %add3A_95 : i32
      %get3A_98 = arith.index_cast %sub3A_97 : i32 to index
      %get3A_99 = arith.constant 0 : index
      %get3A_100 = vector.load %arg4[%get3A_98, %get3A_99] : memref<768x128xf32, #tpu.memory_space<vmem>>, vector<384x128xf32>
      %broadcast_in_dim3A_101 = vector.shape_cast %get3A_94 : vector<128xf32> to vector<1x128xf32>
      %add3A_102 = vector.broadcast %broadcast_in_dim3A_101 : vector<1x128xf32> to vector<384x128xf32>
      %add3A_103 = arith.addf %add3A_102, %get3A_4 : vector<384x128xf32>
      %add3A_104 = arith.addf %add3A_103, %get3A_100 : vector<384x128xf32>
      %mul3A_105 = arith.mulf %add3A_104, %add3A_104 : vector<384x128xf32>
      %dot_general3A_106 = arith.constant dense<0.000000e+00> : vector<384x128xf32>
      %dot_general3A_107 = tpu.matmul %mul3A_105, %broadcast_in_dim3A_11, %dot_general3A_106 {dimension_numbers = #tpu.dot_dimension_numbers<[1], [0], [0], [1], [0, 0, 1, 1], [], []>, transpose_lhs_hint = false} : vector<384x128xf32>, vector<128x128xf32>, vector<384x128xf32> -> vector<384x128xf32>
      %mul3A_108 = arith.constant 7.812500e-03 : f32
      %mul3A_109 = vector.broadcast %mul3A_108 : f32 to vector<384x128xf32>
      %mul3A_110 = arith.mulf %dot_general3A_107, %mul3A_109 : vector<384x128xf32>
      %add3A_111 = arith.constant 9.99999974E-6 : f32
      %add3A_112 = vector.broadcast %add3A_111 : f32 to vector<384x128xf32>
      %add3A_113 = arith.addf %mul3A_110, %add3A_112 : vector<384x128xf32>
      %rsqrt3A_114 = math.rsqrt %add3A_113 : vector<384x128xf32>
      %mul3A_115 = arith.mulf %add3A_104, %rsqrt3A_114 : vector<384x128xf32>
      %mul3A_116 = vector.broadcast %get3A_7 : vector<1x128xf32> to vector<384x128xf32>
      %mul3A_117 = arith.mulf %mul3A_115, %mul3A_116 : vector<384x128xf32>
      %add3A_118 = vector.broadcast %get3A_10 : vector<1x128xf32> to vector<384x128xf32>
      %add3A_119 = arith.addf %mul3A_117, %add3A_118 : vector<384x128xf32>
      %swap3A_120 = arith.constant 0 : index
      %swap3A_121 = arith.index_cast %scan3A_89 : i32 to index
      %swap3A_122 = arith.constant 0 : index
      %swap3A_123 = arith.constant 0 : index
      %swap3A_124 = vector.load %arg7[%swap3A_120, %swap3A_121, %swap3A_122, %swap3A_123] : memref<1x64x384x128xf32, #tpu.memory_space<vmem>>, vector<1x1x384x128xf32>
      %swap3A_125 = vector.shape_cast %swap3A_124 : vector<1x1x384x128xf32> to vector<384x128xf32>
      %swap3A_126 = vector.shape_cast %add3A_119 : vector<384x128xf32> to vector<1x1x384x128xf32>
      tpu.vector_store %arg7[%swap3A_120, %swap3A_121, %swap3A_122, %swap3A_123], %swap3A_126 {strides = array<i32>} : memref<1x64x384x128xf32, #tpu.memory_space<vmem>>, vector<1x1x384x128xf32>,
      %scan3A_127 = arith.constant 3 : i32
      %scan3A_128 = arith.addi %scan3A_16, %scan3A_127 : i32
      %get3A_129 = arith.constant 0 : index
      %get3A_130 = arith.index_cast %scan3A_128 : i32 to index
      %get3A_131 = arith.constant 0 : index
      %get3A_132 = vector.load %arg2[%get3A_129, %get3A_130, %get3A_131] : memref<1x64x128xf32, #tpu.memory_space<vmem>>, vector<1x1x128xf32>
      %get3A_133 = vector.shape_cast %get3A_132 : vector<1x1x128xf32> to vector<128xf32>
      %add3A_134 = arith.addi %mul3A_0, %scan3A_128 : i32
      %sub3A_135 = arith.constant 383 : i32
      %sub3A_136 = arith.subi %sub3A_135, %add3A_134 : i32
      %get3A_137 = arith.index_cast %sub3A_136 : i32 to index
      %get3A_138 = arith.constant 0 : index
      %get3A_139 = vector.load %arg4[%get3A_137, %get3A_138] : memref<768x128xf32, #tpu.memory_space<vmem>>, vector<384x128xf32>
      %broadcast_in_dim3A_140 = vector.shape_cast %get3A_133 : vector<128xf32> to vector<1x128xf32>
      %add3A_141 = vector.broadcast %broadcast_in_dim3A_140 : vector<1x128xf32> to vector<384x128xf32>
      %add3A_142 = arith.addf %add3A_141, %get3A_4 : vector<384x128xf32>
      %add3A_143 = arith.addf %add3A_142, %get3A_139 : vector<384x128xf32>
      %mul3A_144 = arith.mulf %add3A_143, %add3A_143 : vector<384x128xf32>
      %dot_general3A_145 = arith.constant dense<0.000000e+00> : vector<384x128xf32>
      %dot_general3A_146 = tpu.matmul %mul3A_144, %broadcast_in_dim3A_11, %dot_general3A_145 {dimension_numbers = #tpu.dot_dimension_numbers<[1], [0], [0], [1], [0, 0, 1, 1], [], []>, transpose_lhs_hint = false} : vector<384x128xf32>, vector<128x128xf32>, vector<384x128xf32> -> vector<384x128xf32>
      %mul3A_147 = arith.constant 7.812500e-03 : f32
      %mul3A_148 = vector.broadcast %mul3A_147 : f32 to vector<384x128xf32>
      %mul3A_149 = arith.mulf %dot_general3A_146, %mul3A_148 : vector<384x128xf32>
      %add3A_150 = arith.constant 9.99999974E-6 : f32
      %add3A_151 = vector.broadcast %add3A_150 : f32 to vector<384x128xf32>
      %add3A_152 = arith.addf %mul3A_149, %add3A_151 : vector<384x128xf32>
      %rsqrt3A_153 = math.rsqrt %add3A_152 : vector<384x128xf32>
      %mul3A_154 = arith.mulf %add3A_143, %rsqrt3A_153 : vector<384x128xf32>
      %mul3A_155 = vector.broadcast %get3A_7 : vector<1x128xf32> to vector<384x128xf32>
      %mul3A_156 = arith.mulf %mul3A_154, %mul3A_155 : vector<384x128xf32>
      %add3A_157 = vector.broadcast %get3A_10 : vector<1x128xf32> to vector<384x128xf32>
      %add3A_158 = arith.addf %mul3A_156, %add3A_157 : vector<384x128xf32>
      %swap3A_159 = arith.constant 0 : index
      %swap3A_160 = arith.index_cast %scan3A_128 : i32 to index
      %swap3A_161 = arith.constant 0 : index
      %swap3A_162 = arith.constant 0 : index
      %swap3A_163 = vector.load %arg7[%swap3A_159, %swap3A_160, %swap3A_161, %swap3A_162] : memref<1x64x384x128xf32, #tpu.memory_space<vmem>>, vector<1x1x384x128xf32>
      %swap3A_164 = vector.shape_cast %swap3A_163 : vector<1x1x384x128xf32> to vector<384x128xf32>
      %swap3A_165 = vector.shape_cast %add3A_158 : vector<384x128xf32> to vector<1x1x384x128xf32>
      tpu.vector_store %arg7[%swap3A_159, %swap3A_160, %swap3A_161, %swap3A_162], %swap3A_165 {strides = array<i32>} : memref<1x64x384x128xf32, #tpu.memory_space<vmem>>, vector<1x1x384x128xf32>,
      %scan3A_166 = arith.constant 4 : i32
      %scan3A_167 = arith.addi %scan3A_16, %scan3A_166 : i32
      %get3A_168 = arith.constant 0 : index
      %get3A_169 = arith.index_cast %scan3A_167 : i32 to index
      %get3A_170 = arith.constant 0 : index
      %get3A_171 = vector.load %arg2[%get3A_168, %get3A_169, %get3A_170] : memref<1x64x128xf32, #tpu.memory_space<vmem>>, vector<1x1x128xf32>
      %get3A_172 = vector.shape_cast %get3A_171 : vector<1x1x128xf32> to vector<128xf32>
      %add3A_173 = arith.addi %mul3A_0, %scan3A_167 : i32
      %sub3A_174 = arith.constant 383 : i32
      %sub3A_175 = arith.subi %sub3A_174, %add3A_173 : i32
      %get3A_176 = arith.index_cast %sub3A_175 : i32 to index
      %get3A_177 = arith.constant 0 : index
      %get3A_178 = vector.load %arg4[%get3A_176, %get3A_177] : memref<768x128xf32, #tpu.memory_space<vmem>>, vector<384x128xf32>
      %broadcast_in_dim3A_179 = vector.shape_cast %get3A_172 : vector<128xf32> to vector<1x128xf32>
      %add3A_180 = vector.broadcast %broadcast_in_dim3A_179 : vector<1x128xf32> to vector<384x128xf32>
      %add3A_181 = arith.addf %add3A_180, %get3A_4 : vector<384x128xf32>
      %add3A_182 = arith.addf %add3A_181, %get3A_178 : vector<384x128xf32>
      %mul3A_183 = arith.mulf %add3A_182, %add3A_182 : vector<384x128xf32>
      %dot_general3A_184 = arith.constant dense<0.000000e+00> : vector<384x128xf32>
      %dot_general3A_185 = tpu.matmul %mul3A_183, %broadcast_in_dim3A_11, %dot_general3A_184 {dimension_numbers = #tpu.dot_dimension_numbers<[1], [0], [0], [1], [0, 0, 1, 1], [], []>, transpose_lhs_hint = false} : vector<384x128xf32>, vector<128x128xf32>, vector<384x128xf32> -> vector<384x128xf32>
      %mul3A_186 = arith.constant 7.812500e-03 : f32
      %mul3A_187 = vector.broadcast %mul3A_186 : f32 to vector<384x128xf32>
      %mul3A_188 = arith.mulf %dot_general3A_185, %mul3A_187 : vector<384x128xf32>
      %add3A_189 = arith.constant 9.99999974E-6 : f32
      %add3A_190 = vector.broadcast %add3A_189 : f32 to vector<384x128xf32>
      %add3A_191 = arith.addf %mul3A_188, %add3A_190 : vector<384x128xf32>
      %rsqrt3A_192 = math.rsqrt %add3A_191 : vector<384x128xf32>
      %mul3A_193 = arith.mulf %add3A_182, %rsqrt3A_192 : vector<384x128xf32>
      %mul3A_194 = vector.broadcast %get3A_7 : vector<1x128xf32> to vector<384x128xf32>
      %mul3A_195 = arith.mulf %mul3A_193, %mul3A_194 : vector<384x128xf32>
      %add3A_196 = vector.broadcast %get3A_10 : vector<1x128xf32> to vector<384x128xf32>
      %add3A_197 = arith.addf %mul3A_195, %add3A_196 : vector<384x128xf32>
      %swap3A_198 = arith.constant 0 : index
      %swap3A_199 = arith.index_cast %scan3A_167 : i32 to index
      %swap3A_200 = arith.constant 0 : index
      %swap3A_201 = arith.constant 0 : index
      %swap3A_202 = vector.load %arg7[%swap3A_198, %swap3A_199, %swap3A_200, %swap3A_201] : memref<1x64x384x128xf32, #tpu.memory_space<vmem>>, vector<1x1x384x128xf32>
      %swap3A_203 = vector.shape_cast %swap3A_202 : vector<1x1x384x128xf32> to vector<384x128xf32>
      %swap3A_204 = vector.shape_cast %add3A_197 : vector<384x128xf32> to vector<1x1x384x128xf32>
      tpu.vector_store %arg7[%swap3A_198, %swap3A_199, %swap3A_200, %swap3A_201], %swap3A_204 {strides = array<i32>} : memref<1x64x384x128xf32, #tpu.memory_space<vmem>>, vector<1x1x384x128xf32>,
      %scan3A_205 = arith.constant 5 : i32
      %scan3A_206 = arith.addi %scan3A_16, %scan3A_205 : i32
      %get3A_207 = arith.constant 0 : index
      %get3A_208 = arith.index_cast %scan3A_206 : i32 to index
      %get3A_209 = arith.constant 0 : index
      %get3A_210 = vector.load %arg2[%get3A_207, %get3A_208, %get3A_209] : memref<1x64x128xf32, #tpu.memory_space<vmem>>, vector<1x1x128xf32>
      %get3A_211 = vector.shape_cast %get3A_210 : vector<1x1x128xf32> to vector<128xf32>
      %add3A_212 = arith.addi %mul3A_0, %scan3A_206 : i32
      %sub3A_213 = arith.constant 383 : i32
      %sub3A_214 = arith.subi %sub3A_213, %add3A_212 : i32
      %get3A_215 = arith.index_cast %sub3A_214 : i32 to index
      %get3A_216 = arith.constant 0 : index
      %get3A_217 = vector.load %arg4[%get3A_215, %get3A_216] : memref<768x128xf32, #tpu.memory_space<vmem>>, vector<384x128xf32>
      %broadcast_in_dim3A_218 = vector.shape_cast %get3A_211 : vector<128xf32> to vector<1x128xf32>
      %add3A_219 = vector.broadcast %broadcast_in_dim3A_218 : vector<1x128xf32> to vector<384x128xf32>
      %add3A_220 = arith.addf %add3A_219, %get3A_4 : vector<384x128xf32>
      %add3A_221 = arith.addf %add3A_220, %get3A_217 : vector<384x128xf32>
      %mul3A_222 = arith.mulf %add3A_221, %add3A_221 : vector<384x128xf32>
      %dot_general3A_223 = arith.constant dense<0.000000e+00> : vector<384x128xf32>
      %dot_general3A_224 = tpu.matmul %mul3A_222, %broadcast_in_dim3A_11, %dot_general3A_223 {dimension_numbers = #tpu.dot_dimension_numbers<[1], [0], [0], [1], [0, 0, 1, 1], [], []>, transpose_lhs_hint = false} : vector<384x128xf32>, vector<128x128xf32>, vector<384x128xf32> -> vector<384x128xf32>
      %mul3A_225 = arith.constant 7.812500e-03 : f32
      %mul3A_226 = vector.broadcast %mul3A_225 : f32 to vector<384x128xf32>
      %mul3A_227 = arith.mulf %dot_general3A_224, %mul3A_226 : vector<384x128xf32>
      %add3A_228 = arith.constant 9.99999974E-6 : f32
      %add3A_229 = vector.broadcast %add3A_228 : f32 to vector<384x128xf32>
      %add3A_230 = arith.addf %mul3A_227, %add3A_229 : vector<384x128xf32>
      %rsqrt3A_231 = math.rsqrt %add3A_230 : vector<384x128xf32>
      %mul3A_232 = arith.mulf %add3A_221, %rsqrt3A_231 : vector<384x128xf32>
      %mul3A_233 = vector.broadcast %get3A_7 : vector<1x128xf32> to vector<384x128xf32>
      %mul3A_234 = arith.mulf %mul3A_232, %mul3A_233 : vector<384x128xf32>
      %add3A_235 = vector.broadcast %get3A_10 : vector<1x128xf32> to vector<384x128xf32>
      %add3A_236 = arith.addf %mul3A_234, %add3A_235 : vector<384x128xf32>
      %swap3A_237 = arith.constant 0 : index
      %swap3A_238 = arith.index_cast %scan3A_206 : i32 to index
      %swap3A_239 = arith.constant 0 : index
      %swap3A_240 = arith.constant 0 : index
      %swap3A_241 = vector.load %arg7[%swap3A_237, %swap3A_238, %swap3A_239, %swap3A_240] : memref<1x64x384x128xf32, #tpu.memory_space<vmem>>, vector<1x1x384x128xf32>
      %swap3A_242 = vector.shape_cast %swap3A_241 : vector<1x1x384x128xf32> to vector<384x128xf32>
      %swap3A_243 = vector.shape_cast %add3A_236 : vector<384x128xf32> to vector<1x1x384x128xf32>
      tpu.vector_store %arg7[%swap3A_237, %swap3A_238, %swap3A_239, %swap3A_240], %swap3A_243 {strides = array<i32>} : memref<1x64x384x128xf32, #tpu.memory_space<vmem>>, vector<1x1x384x128xf32>,
      %scan3A_244 = arith.constant 6 : i32
      %scan3A_245 = arith.addi %scan3A_16, %scan3A_244 : i32
      %get3A_246 = arith.constant 0 : index
      %get3A_247 = arith.index_cast %scan3A_245 : i32 to index
      %get3A_248 = arith.constant 0 : index
      %get3A_249 = vector.load %arg2[%get3A_246, %get3A_247, %get3A_248] : memref<1x64x128xf32, #tpu.memory_space<vmem>>, vector<1x1x128xf32>
      %get3A_250 = vector.shape_cast %get3A_249 : vector<1x1x128xf32> to vector<128xf32>
      %add3A_251 = arith.addi %mul3A_0, %scan3A_245 : i32
      %sub3A_252 = arith.constant 383 : i32
      %sub3A_253 = arith.subi %sub3A_252, %add3A_251 : i32
      %get3A_254 = arith.index_cast %sub3A_253 : i32 to index
      %get3A_255 = arith.constant 0 : index
      %get3A_256 = vector.load %arg4[%get3A_254, %get3A_255] : memref<768x128xf32, #tpu.memory_space<vmem>>, vector<384x128xf32>
      %broadcast_in_dim3A_257 = vector.shape_cast %get3A_250 : vector<128xf32> to vector<1x128xf32>
      %add3A_258 = vector.broadcast %broadcast_in_dim3A_257 : vector<1x128xf32> to vector<384x128xf32>
      %add3A_259 = arith.addf %add3A_258, %get3A_4 : vector<384x128xf32>
      %add3A_260 = arith.addf %add3A_259, %get3A_256 : vector<384x128xf32>
      %mul3A_261 = arith.mulf %add3A_260, %add3A_260 : vector<384x128xf32>
      %dot_general3A_262 = arith.constant dense<0.000000e+00> : vector<384x128xf32>
      %dot_general3A_263 = tpu.matmul %mul3A_261, %broadcast_in_dim3A_11, %dot_general3A_262 {dimension_numbers = #tpu.dot_dimension_numbers<[1], [0], [0], [1], [0, 0, 1, 1], [], []>, transpose_lhs_hint = false} : vector<384x128xf32>, vector<128x128xf32>, vector<384x128xf32> -> vector<384x128xf32>
      %mul3A_264 = arith.constant 7.812500e-03 : f32
      %mul3A_265 = vector.broadcast %mul3A_264 : f32 to vector<384x128xf32>
      %mul3A_266 = arith.mulf %dot_general3A_263, %mul3A_265 : vector<384x128xf32>
      %add3A_267 = arith.constant 9.99999974E-6 : f32
      %add3A_268 = vector.broadcast %add3A_267 : f32 to vector<384x128xf32>
      %add3A_269 = arith.addf %mul3A_266, %add3A_268 : vector<384x128xf32>
      %rsqrt3A_270 = math.rsqrt %add3A_269 : vector<384x128xf32>
      %mul3A_271 = arith.mulf %add3A_260, %rsqrt3A_270 : vector<384x128xf32>
      %mul3A_272 = vector.broadcast %get3A_7 : vector<1x128xf32> to vector<384x128xf32>
      %mul3A_273 = arith.mulf %mul3A_271, %mul3A_272 : vector<384x128xf32>
      %add3A_274 = vector.broadcast %get3A_10 : vector<1x128xf32> to vector<384x128xf32>
      %add3A_275 = arith.addf %mul3A_273, %add3A_274 : vector<384x128xf32>
      %swap3A_276 = arith.constant 0 : index
      %swap3A_277 = arith.index_cast %scan3A_245 : i32 to index
      %swap3A_278 = arith.constant 0 : index
      %swap3A_279 = arith.constant 0 : index
      %swap3A_280 = vector.load %arg7[%swap3A_276, %swap3A_277, %swap3A_278, %swap3A_279] : memref<1x64x384x128xf32, #tpu.memory_space<vmem>>, vector<1x1x384x128xf32>
      %swap3A_281 = vector.shape_cast %swap3A_280 : vector<1x1x384x128xf32> to vector<384x128xf32>
      %swap3A_282 = vector.shape_cast %add3A_275 : vector<384x128xf32> to vector<1x1x384x128xf32>
      tpu.vector_store %arg7[%swap3A_276, %swap3A_277, %swap3A_278, %swap3A_279], %swap3A_282 {strides = array<i32>} : memref<1x64x384x128xf32, #tpu.memory_space<vmem>>, vector<1x1x384x128xf32>,
      %scan3A_283 = arith.constant 7 : i32
      %scan3A_284 = arith.addi %scan3A_16, %scan3A_283 : i32
      %get3A_285 = arith.constant 0 : index
      %get3A_286 = arith.index_cast %scan3A_284 : i32 to index
      %get3A_287 = arith.constant 0 : index
      %get3A_288 = vector.load %arg2[%get3A_285, %get3A_286, %get3A_287] : memref<1x64x128xf32, #tpu.memory_space<vmem>>, vector<1x1x128xf32>
      %get3A_289 = vector.shape_cast %get3A_288 : vector<1x1x128xf32> to vector<128xf32>
      %add3A_290 = arith.addi %mul3A_0, %scan3A_284 : i32
      %sub3A_291 = arith.constant 383 : i32
      %sub3A_292 = arith.subi %sub3A_291, %add3A_290 : i32
      %get3A_293 = arith.index_cast %sub3A_292 : i32 to index
      %get3A_294 = arith.constant 0 : index
      %get3A_295 = vector.load %arg4[%get3A_293, %get3A_294] : memref<768x128xf32, #tpu.memory_space<vmem>>, vector<384x128xf32>
      %broadcast_in_dim3A_296 = vector.shape_cast %get3A_289 : vector<128xf32> to vector<1x128xf32>
      %add3A_297 = vector.broadcast %broadcast_in_dim3A_296 : vector<1x128xf32> to vector<384x128xf32>
      %add3A_298 = arith.addf %add3A_297, %get3A_4 : vector<384x128xf32>
      %add3A_299 = arith.addf %add3A_298, %get3A_295 : vector<384x128xf32>
      %mul3A_300 = arith.mulf %add3A_299, %add3A_299 : vector<384x128xf32>
      %dot_general3A_301 = arith.constant dense<0.000000e+00> : vector<384x128xf32>
      %dot_general3A_302 = tpu.matmul %mul3A_300, %broadcast_in_dim3A_11, %dot_general3A_301 {dimension_numbers = #tpu.dot_dimension_numbers<[1], [0], [0], [1], [0, 0, 1, 1], [], []>, transpose_lhs_hint = false} : vector<384x128xf32>, vector<128x128xf32>, vector<384x128xf32> -> vector<384x128xf32>
      %mul3A_303 = arith.constant 7.812500e-03 : f32
      %mul3A_304 = vector.broadcast %mul3A_303 : f32 to vector<384x128xf32>
      %mul3A_305 = arith.mulf %dot_general3A_302, %mul3A_304 : vector<384x128xf32>
      %add3A_306 = arith.constant 9.99999974E-6 : f32
      %add3A_307 = vector.broadcast %add3A_306 : f32 to vector<384x128xf32>
      %add3A_308 = arith.addf %mul3A_305, %add3A_307 : vector<384x128xf32>
      %rsqrt3A_309 = math.rsqrt %add3A_308 : vector<384x128xf32>
      %mul3A_310 = arith.mulf %add3A_299, %rsqrt3A_309 : vector<384x128xf32>
      %mul3A_311 = vector.broadcast %get3A_7 : vector<1x128xf32> to vector<384x128xf32>
      %mul3A_312 = arith.mulf %mul3A_310, %mul3A_311 : vector<384x128xf32>
      %add3A_313 = vector.broadcast %get3A_10 : vector<1x128xf32> to vector<384x128xf32>
      %add3A_314 = arith.addf %mul3A_312, %add3A_313 : vector<384x128xf32>
      %swap3A_315 = arith.constant 0 : index
      %swap3A_316 = arith.index_cast %scan3A_284 : i32 to index
      %swap3A_317 = arith.constant 0 : index
      %swap3A_318 = arith.constant 0 : index
      %swap3A_319 = vector.load %arg7[%swap3A_315, %swap3A_316, %swap3A_317, %swap3A_318] : memref<1x64x384x128xf32, #tpu.memory_space<vmem>>, vector<1x1x384x128xf32>
      %swap3A_320 = vector.shape_cast %swap3A_319 : vector<1x1x384x128xf32> to vector<384x128xf32>
      %swap3A_321 = vector.shape_cast %add3A_314 : vector<384x128xf32> to vector<1x1x384x128xf32>
      tpu.vector_store %arg7[%swap3A_315, %swap3A_316, %swap3A_317, %swap3A_318], %swap3A_321 {strides = array<i32>} : memref<1x64x384x128xf32, #tpu.memory_space<vmem>>, vector<1x1x384x128xf32>,
    }
    %scan3A_15 = arith.constant 64 : i32
    return
  }
  func.func @transform_0(%arg0: i32, %arg1: i32) -> (i32, i32, i32) {
    %c0_i32 = arith.constant 0 : i32
    %c0_i32_0 = arith.constant 0 : i32
    return %arg0, %arg1, %c0_i32 : i32, i32, i32
  }
  func.func @transform_1(%arg0: i32, %arg1: i32) -> (i32, i32, i32) {
    %c0_i32 = arith.constant 0 : i32
    %c0_i32_0 = arith.constant 0 : i32
    %c0_i32_1 = arith.constant 0 : i32
    return %arg0, %c0_i32, %c0_i32_0 : i32, i32, i32
  }
  func.func @transform_2(%arg0: i32, %arg1: i32) -> (i32, i32) {
    %c0_i32 = arith.constant 0 : i32
    %c0_i32_0 = arith.constant 0 : i32
    %c0_i32_1 = arith.constant 0 : i32
    return %c0_i32, %c0_i32_0 : i32, i32
  }
  func.func @transform_3(%arg0: i32, %arg1: i32) -> (i32, i32) {
    %c0_i32 = arith.constant 0 : i32
    %c0_i32_0 = arith.constant 0 : i32
    %c0_i32_1 = arith.constant 0 : i32
    return %c0_i32, %c0_i32_0 : i32, i32
  }
  func.func @transform_4(%arg0: i32, %arg1: i32) -> (i32, i32) {
    %c0_i32 = arith.constant 0 : i32
    %c0_i32_0 = arith.constant 0 : i32
    %c0_i32_1 = arith.constant 0 : i32
    return %c0_i32, %c0_i32_0 : i32, i32
  }
  func.func @transform_5(%arg0: i32, %arg1: i32) -> (i32, i32, i32, i32) {
    %c0_i32 = arith.constant 0 : i32
    %c0_i32_0 = arith.constant 0 : i32
    %c0_i32_1 = arith.constant 0 : i32
    return %arg0, %arg1, %c0_i32, %c0_i32_0 : i32, i32, i32, i32
  }
}

</mosaic_0001>

<sc_bundles>
// kernel: kernel.5.cloned.1.call-start
scs
__scs_entry_jumppad:
0x0: {  	(pc) =	sbr.rel $0x88, $3  }
0x1: {  	(tag) =	ssettag $0x0;
	lr =	simm.s32 $0x1  }
0x2: {  	[smem:$0x3F92] =	sst lr;
	_ =	strace $0xD0000000  }
0x3: {  	_ = 	snop  }
0x4: {  	_ = 	snop  }
0x5: {  	_ = 	snop  }
0x6: {  	_ = 	snop  }
0x7: {  	_ = 	snop  }
__scs_overlays_trampoline_lowered:
0x8: {  	[smem:$0x3FA1] =	sst s0  }
0x9: {  	[smem:$0x3FA2] =	sst s1  }
0xa: {  	[smem:$0x3FA3] =	sst s2  }
0xb: {  	[smem:$0x3FA4] =	sst s3  }
0xc: {  	[smem:$0x3FA5] =	sst s4  }
0xd: {  	[smem:$0x3FA6] =	sst s5  }
0xe: {  	[smem:$0x3FA7] =	sst s6  }
0xf: {  	[smem:$0x3FA8] =	sst s7  }
0x10: {  	[smem:$0x3FA9] =	sst s8  }
0x11: {  	[smem:$0x3FAA] =	sst s9;
	s0 =	simm.s32 @!p0 $0x0  }
0x12: {  	s1 =	sld [smem:$0x3F90];
	s0 =	simm.s32 @p0 $0x1  }
0x13: {  	[smem:$0x3FAB] =	sst s0;
	s0 =	simm.s32 @!p1 $0x0  }
0x14: {  	s2 =	sld [smem:$0x3F8F];
	s0 =	simm.s32 @p1 $0x1  }
0x15: {  	[smem:$0x3FAC] =	sst s0;
	s0 =	simm.s32 @!p2 $0x0  }
0x16: {  	s3 =	sld [smem:$0x3FDB];
	s0 =	simm.s32 @p2 $0x1  }
0x17: {  	s4 =	simm.s32 $0x1BF5;
	[smem:$0x3FAE] =	sst s0  }
0x18: {  	s0 =	sld [smem:$0x3F91];
	_ =	swait.ge [sflag:s4], $0x0  }
0x19: {  	s7 =	sld [smem:$0x3F92]  }
0x1a: {  	s8 =	sadd.s32 $0xFFFFE003, lr  }
0x1b: {  	s9 =	sadd.s32 $0xFFFFFEF7, lr;
	s5 =	simm.s32 $0xFFFFFFFF;
	p2 =	slt.u32 s8, $0xFFFFF086  }
0x1c: {  	p1 =	slt.u32 s9, $0xF7A;
	s5 =	simm.s32 @!p2 $0x0  }
0x1d: {  	s5 =	simm.s32 @p1 $0x1;
	p0 =	seq.s32 s7, s2  }
0x1e: {  	s7 =	smul.u32 @!p0 $0xF7A, s2;
	p2 =	seq.s32 @!p0 s5, $0x0  }
0x1f: {  	s9 =	smul.u32 $0xF7A, s1;
	s8 =	simm.s32 @!p0 $0x1BF5;
	p2 =	por !p2, p0  }
0x20: {  	[sflag:s8] =	ssyncset.s32 @!p0 $0xFFFFF086;
	s6 =	sadd.s32 @!p0 s3, s7;
	s7 =	simm.s32 @!p0 $0x108  }
0x21: {  	s3 =	sadd.s32 s3, s9;
	s6 =	sadd.s32 @!p0 $0x88, s6;
	s7 =	simm.s32 @p2 $0x1082  }
0x22: {  	[simem:s7], [sflag:s8] =	dma.local @!p0 [hbm:s6], $0xF7A  }
0x23: {  	s9 =	sor.u32 $0xD0000000, s2;
	s6 =	simm.s32 $0x108;
	_ =	swait.ge @!p0 [sflag:s8], $0x0  }
0x24: {  	s3 =	sadd.s32 $0x88, s3;
	s6 =	simm.s32 @!p1 $0x1082;
	[sflag:s4] =	ssyncset.s32 $0xFFFFF086  }
0x25: {  	[simem:s6], [sflag:s4] =	dma.local [hbm:s3], $0xF7A  }
0x26: {  	[smem:$0x3F92] =	sst s1;
	(tag) =	ssettag s2;
	_ =	strace s9  }
0x27: {  	s1 =	sld [smem:$0x3FA2]  }
0x28: {  	s2 =	sld [smem:$0x3FA3]  }
0x29: {  	s4 =	sld [smem:$0x3FA5]  }
0x2a: {  	p0 =	seq.s32 s5, $0x0;
	s5 =	sld [smem:$0x3FA6]  }
0x2b: {  	s6 =	sld [smem:$0x3FA7]  }
0x2c: {  	s7 =	sld [smem:$0x3FA8]  }
0x2d: {  	s3 =	simm.s32 $0x108;
	s8 =	sld [smem:$0x3FA9]  }
0x2e: {  	s3 =	simm.s32 @!p0 $0x1082;
	s9 =	sld [smem:$0x3FAA]  }
0x2f: {  	lr =	sadd.s32 s0, s3;
	s0 =	sld [smem:$0x3FA1]  }
0x30: {  	s3 =	sld [smem:$0x3FA4]  }
0x31: {  	[smem:$0x3FAD] =	sst s10  }
0x32: {  	s10 =	sld [smem:$0x3FAB];
	_ =	sdelay $0x3  }
0x33: {  	p0 =	seq.s32 s10, $0x1;
	s10 =	sld [smem:$0x3FAD];
	_ =	sdelay $0x3  }
0x34: {  	[smem:$0x3FAD] =	sst s10  }
0x35: {  	s10 =	sld [smem:$0x3FAC];
	_ =	sdelay $0x3  }
0x36: {  	p1 =	seq.s32 s10, $0x1;
	s10 =	sld [smem:$0x3FAD];
	_ =	sdelay $0x3  }
0x37: {  	[smem:$0x3FAD] =	sst s10  }
0x38: {  	s10 =	sld [smem:$0x3FAE]  }
0x39: {  	_ = 	snop;
	(pc) =	sbr.ind lr, $3  }
0x3a: {  	_ = 	snop  }
0x3b: {  	_ = 	snop  }
0x3c: {  	p2 =	seq.s32 s10, $0x1;
	s10 =	sld [smem:$0x3FAD]  }
0x3d: {  	_ =	shalt  }
0x3e: {  	_ =	shalt  }
0x3f: {  	_ =	shalt  }
0x40: {  	_ =	shalt  }
0x41: {  	_ =	shalt  }
0x42: {  	_ =	shalt  }
0x43: {  	_ =	shalt  }
0x44: {  	_ =	shalt  }
0x45: {  	_ =	shalt  }
0x46: {  	_ =	shalt  }
0x47: {  	_ =	shalt  }
0x48: {  	_ =	shalt  }
0x49: {  	_ =	shalt  }
0x4a: {  	_ =	shalt  }
0x4b: {  	_ =	shalt  }
0x4c: {  	_ =	shalt  }
0x4d: {  	_ =	shalt  }
0x4e: {  	_ =	shalt  }
0x4f: {  	_ =	shalt  }
0x50: {  	_ =	shalt  }
0x51: {  	_ =	shalt  }
0x52: {  	_ =	shalt  }
0x53: {  	_ =	shalt  }
0x54: {  	_ =	shalt  }
0x55: {  	_ =	shalt  }
0x56: {  	_ =	shalt  }
0x57: {  	_ =	shalt  }
0x58: {  	_ =	shalt  }
0x59: {  	_ =	shalt  }
0x5a: {  	_ =	shalt  }
0x5b: {  	_ =	shalt  }
0x5c: {  	_ =	shalt  }
0x5d: {  	_ =	shalt  }
0x5e: {  	_ =	shalt  }
0x5f: {  	_ =	shalt  }
0x60: {  	_ =	shalt  }
0x61: {  	_ =	shalt  }
0x62: {  	_ =	shalt  }
0x63: {  	_ =	shalt  }
0x64: {  	_ =	shalt  }
0x65: {  	_ =	shalt  }
0x66: {  	_ =	shalt  }
0x67: {  	_ =	shalt  }
0x68: {  	_ =	shalt  }
0x69: {  	_ =	shalt  }
0x6a: {  	_ =	shalt  }
0x6b: {  	_ =	shalt  }
0x6c: {  	_ =	shalt  }
0x6d: {  	_ =	shalt  }
0x6e: {  	_ =	shalt  }
0x6f: {  	_ =	shalt  }
0x70: {  	_ =	shalt  }
0x71: {  	_ =	shalt  }
0x72: {  	_ =	shalt  }
0x73: {  	_ =	shalt  }
0x74: {  	_ =	shalt  }
0x75: {  	_ =	shalt  }
0x76: {  	_ =	shalt  }
0x77: {  	_ =	shalt  }
0x78: {  	_ =	shalt  }
0x79: {  	_ =	shalt  }
0x7a: {  	_ =	shalt  }
0x7b: {  	_ =	shalt  }
0x7c: {  	_ =	shalt  }
0x7d: {  	_ =	shalt  }
0x7e: {  	_ =	shalt  }
0x7f: {  	_ =	shalt  }
0x80: {  	_ =	shalt  }
0x81: {  	_ =	shalt  }
0x82: {  	_ =	shalt  }
0x83: {  	_ =	shalt  }
0x84: {  	_ =	shalt  }
0x85: {  	_ =	shalt  }
0x86: {  	_ =	shalt  }
0x87: {  	_ =	shalt  }
.Lfunc_end0:
.L_simem_size_0:
called_computation_lowered:
.L_overlay_start_0:
0x88: {  	s2 =	sld [smem:$0x3FD9]  }
0x89: {  	s3 =	sld [smem:$0x3FFE];
	_ =	sdelay $0x1  }
0x8a: {  	s1 =	srdreg.scid  }
0x8b: {  	s0 =	sand.u32 $0x1, s1  }
0x8c: {  	s14 =	sshll.u32 s0, $0xA;
	s2 =	sadd.s32 s3, s2  }
0x8d: {  	s2 =	sadd.s32 s2, s14  }
0x8e: {  	[smem:$0x3FB9] =	sst s2  }
0x8f: {  	_ = 	snop  }
0x90: {  	s2 =	sld [smem:$0x3FD0];
	_ =	sdelay $0x2  }
0x91: {  	s15 =	simm.s32 $0xA;
	s4 =	simm.s32 $0x10  }
0x92: {  	[smem:s4], [sflag:s15] =	dma.local [hbm:s2], $0x1  }
0x93: {  	_ =	swait.eq [sflag:s15], $0x1  }
0x94: {  	[sflag:s15] =	ssyncset.done $0x0  }
0x95: {  	[sflag:s15] =	ssyncadd.s32 $0xFFFFFFFF  }
0x96: {  	s16 =	sld [smem:$0x10];
	(tm) =	ssettm $0x1  }
0x97: {  	s17 =	sld [smem:$0x3FFB];
	_ =	sdelay $0x3  }
0x98: {  	_ =	strace s17  }
0x99: {  	s3 =	sld [smem:$0x3FFC];
	_ =	sdelay $0x3  }
0x9a: {  	_ =	strace s3  }
0x9b: {  	s3 =	sld [smem:$0x3FFD];
	_ =	sdelay $0x3  }
0x9c: {  	_ =	strace s3  }
0x9d: {  	_ =	strace $0x8FFFFFFF  }
0x9e: {  	s18 =	sld [smem:$0x3FDB];
	_ =	sdelay $0x1  }
0x9f: {  	s19 =	simm.s32 $_scs_section_size  }
0xa0: {  	s5 =	simm.s32 $_size__tile_overlayer_lowered;
	s6 =	simm.s32 $_tile_overlayer_lowered  }
0xa1: {  	s22 =	simm.s32 $0x1BFF;
	s21 =	sshll.u32 s6, $0x1;
	s3 =	sadd.s32 s19, s18  }
0xa2: {  	s7 =	simm.s32 $0x0;
	s20 =	sshll.u32 s5, $0x1;
	s5 =	sadd.s32 s21, s3  }
0xa3: {  	[timem:s7], [sflag:s22] =	dma.local [hbm:s5], s20  }
0xa4: {  	_ =	swait.ge [sflag:s22], s20  }
0xa5: {  	s4 =	ssub.s32 $0x0, s20;
	[sflag:s22] =	ssyncset.done $0x0  }
0xa6: {  	[sflag:s22] =	ssyncadd.s32 s4;
	_ =	sdelay $0x1  }
0xa7: {  	s23 =	simm.s32 $0x1B8B  }
0xa8: {  	_ =	swait.ge [sflag:s23], $0x1  }
0xa9: {  	[sflag:s23] =	ssyncset.done $0x0  }
0xaa: {  	s25 =	simm.s32 $0x1B8E;
	s24 =	sld [smem:$0x3FFE];
	[sflag:s23] =	ssyncadd.s32 $0xFFFFFFFF  }
0xab: {  	s26 =	simm.s32 $execute0_lowered;
	[smem:$0x3FD2] =	sst s25  }
0xac: {  	s5 =	sshll.u32 s26, $0x1;
	_ =	strace $0x80000046;
	[dreg:$0x1] =	wrdreg $0xFFFFFFFF  }
0xad: {  	s28 =	simm.s32 $_size_execute0_lowered;
	s3 =	sadd.s32 s3, s5;
	[dreg:$0x0] =	wrdreg $0x0  }
0xae: {  	s5 =	sshll.u32 s28, $0x1;
	[dreg:$0x2] =	wrdreg s3  }
0xaf: {  	[dreg:$0x3] =	wrdreg s5  }
0xb0: {  	[dreg:$0x4] =	wrdreg $0xC0  }
0xb1: {  	_ =	task [dreg:s7], $0x5FFFF  }
0xb2: {  	[dreg:$0x1] =	wrdreg $0xFFFFFFFF  }
0xb3: {  	[dreg:$0x0] =	wrdreg $0x60  }
0xb4: {  	[dreg:$0x2] =	wrdreg s24  }
0xb5: {  	[dreg:$0x3] =	wrdreg s16  }
0xb6: {  	[dreg:$0x4] =	wrdreg $0x9  }
0xb7: {  	_ =	task.clear_ibuf [dreg:s7], $0x5FFFF;
	_ =	strace $0x90000046  }
0xb8: {  	s29 =	simm.s32 $0x9;
	_ =	strace $0x80000048  }
0xb9: {  	_ =	swait.ge [sflag:s29], $0x1  }
0xba: {  	[sflag:s29] =	ssyncadd.s32 $0xFFFFFFFF  }
0xbb: {  	_ =	strace $0x90000048  }
0xbc: {  	_ =	sfence  }
0xbd: {  	s30 =	sld [smem:$0x0];
	_ =	sdelay $0x2  }
0xbe: {  	s31 =	sshll.u32 s1, $0xD;
	s1 =	sshrl.u32 s1, $0x2  }
0xbf: {  	s3 =	sand.u32 $0x4000, s31;
	s1 =	sadd.s32 s1, s30  }
0xc0: {  	s0 =	sor.u32 s3, s0;
	s1 =	sshll.u32 s1, $0x11  }
0xc1: {  	s0 =	sor.u32 s1, s0  }
0xc2: {  	s0 =	sadd.s32 $0x8F2B, s0  }
0xc3: {  	[sflag:s0] =	ssyncadd.remote.s32 $0x1  }
0xc4: {  	_ =	sfence.sel $0xFFFF  }
0xc5: {  	[dreg:$0x0] =	wrdreg $0xFFFFFFFF;
	(pc) =	sbr.abs _section_cstart, $3  }
0xc6: {  	[dreg:$0x1] =	wrdreg $0xFFFFFFFF  }
0xc7: {  	_ =	task.clear_ibuf [dreg:s7], $0x2FFFF;
	_ =	strace $0x9FFFFFFF  }
0xc8: {  	(tm) =	ssettm $0x7FFFFFFF  }
0xc9: {  	_ =	shalt  }
tec
execute0_lowered:
.L_overlay_start_1:
0x0: {  	(tag) =	ssettag $0x1  }
0x1: {  	s1 =	srdreg.scid;
	s4 =	rddreg [dreg:$0x0]  }
0x2: {  	s0 =	stileid.u32;
	s5 =	rddreg [dreg:$0x1]  }
0x3: {  	s2 =	simm.s32 $0x0;
	s3 =	sand.u32 $0x1, s1;
	s31 =	sshll.u32 s0, $0x1  }
0x4: {  	s10 =	simm.s32 $0x1080;
	s11 =	simm.s32 $0x1;
	s6 =	sor.u32 s3, s31  }
0x5: {  	s1 =	rddreg [dreg:$0x2];
	s8 =	ssub.s32 $0x2, s3;
	s7 =	smul.u32 $0x3, s6  }
0x6: {  	[smem:$0x7FF] =	sst s2;
	s6 =	smul.u32 $0x300, s6;
	s9 =	sshrl.u32 s8, $0x1  }
0x7: {  	v2 =	vlaneseq.u32;
	_ =	strace $0x80000047;
	s3 =	sadd.s32 $0x200, s4;
	s8 =	ssub.s32 s8, s9  }
0x8: {  	vm0 =	vmmov $0xffff;
	v1 =	vshrl.u32 v2, $0x3;
	s9 =	simm.s32 $0x880;
	s4 =	sadd.s32 s4, s7;
	s5 =	sadd.s32 s5, s6  }
0x9: {  	v0 =	vand.u32 $0x7, v2;
	v2 =	vor.u32 $0x8, v2;
	v1 =	vmul.u32 $0x8, v1;
	s6 =	smax.u32 s8, $0x1;
	s7 =	simm.s32 $0x2;
	s8 =	simm.s32 $0x80  }
.LBB2_1:
0xa: {  	[tilespmem:s2], [sflag:$0x2] =	stream.linear.gather [hbm4b:s4+s2], $0x18, $0x38;
	[tilespmem:$0x1880] =	vst v63  }
0xb: {  	_ =	swait.ge [sflag:s7], $0x18  }
0xc: {  	[sflag:s7] =	ssyncset.done $0x0  }
0xd: {  	[sflag:s7] =	ssyncadd.s32 $0xFFFFFFE8  }
0xe: {  	v3 =	vld [tilespmem:$0x0];
	_ =	sdelay $0x4  }
0xf: {  	v4 =	vshll.u32 v3, $0x1  }
0x10: {  	v3 =	vand.u32 $0x7, v3;
	v4 =	vand.u32 $0xFFFFFFF0, v4  }
0x11: {  	v3 =	vor.u32 v3, v4  }
0x12: {  	v4 =	vperm.xlane v3, v0;
	_ =	sdelay $0x1  }
0x13: {  	v3 =	vperm.xlane v3, v2;
	v4 =	vadd.s32 v1, v4;
	_ =	sdelay $0x1  }
0x14: {  	v3 =	vadd.s32 v1, v3;
	_ =	sdelay $0x2  }
0x15: {  	[tilespmem:s8], [sflag:$0x1] =	stream.indirect_vreg.gather [hbm4b:s3+s2], $0x80, v4, vm0, $0xb8;
	[tilespmem:$0x1880] =	vst v63  }
0x16: {  	_ = 	snop  }
0x17: {  	[tilespmem:s9], [sflag:$0x1] =	stream.indirect_vreg.gather [hbm4b:s3+s2], $0x80, v3, vm0, $0xb8;
	[tilespmem:$0x1880] =	vst v63  }
0x18: {  	v3 =	vld.msk [tilespmem:$0x10], $0xff;
	_ =	sdelay $0x4  }
0x19: {  	v63 =	vshll.u32 v3, $0x1  }
0x1a: {  	v3 =	vand.u32 $0x7, v3;
	v4 =	vand.u32 $0xFFFFFFF0, v63  }
0x1b: {  	v3 =	vor.u32 v3, v4  }
0x1c: {  	v3 =	vperm.xlane v3, v0;
	_ =	sdelay $0x1  }
0x1d: {  	v3 =	vadd.s32 v1, v3;
	_ =	sdelay $0x4  }
0x1e: {  	[tilespmem:s10], [sflag:$0x1] =	stream.indirect_vreg.gather [hbm4b:s3+s2], $0x80, v3, vm0, $0xb8;
	[tilespmem:$0x1880] =	vst v63  }
0x1f: {  	_ =	swait.ge [sflag:s11], $0x1800  }
0x20: {  	p0 =	sne.s32 s6, $0x1;
	[sflag:s11] =	ssyncset.done $0x0  }
.Ltmp0:
0x21: {  	[sflag:s11] =	ssyncadd.s32 $0xFFFFE800;
	(pc) =	sbr.rel @p0 .LBB2_1-.Ltmp0, $4  }
0x22: {  	[hbm4b:s5+s2] =	stream.linear.scatter [tilespmem:s8], [sflag:$0x2], $0x1800, $0x38;
	[tilespmem:$0x1880] =	vst v63  }
0x23: {  	_ =	swait.ge [sflag:s7], $0x1800  }
0x24: {  	[sflag:s7] =	ssyncset.done $0x0  }
0x25: {  	s6 =	sadd.s32 $0xFFFFFFFF, s6;
	[sflag:s7] =	ssyncadd.s32 $0xFFFFE800  }
0x26: {  	_ =	sfence.sel $0x180000  }
0x27: {  	[bflag:$0x0] =	sbarrier.arrive $0xFFFF  }
0x28: {  	p0 =	sne.s32 s0, $0x0;
	_ =	strace $0x90000047  }
0x29: {  	s0 =	sadd.s32 @!p0 $0x100000, s1;
	[bflag:$0x2] =	sbarrier.arrive $0xFFFF  }
0x2a: {  	[sflag:s0] =	ssyncadd.tile.s32 @!p0 $0x1;
	_ =	shalt  }
.Lfunc_end2:
_tile_overlayer_lowered:
.L_overlay_start_2:
0x2b: {  	(tag) =	ssettag $0x2  }
0x2c: {  	s0 =	rddreg [dreg:$0x0];
	s2 =	stileid.u32  }
0x2d: {  	s1 =	rddreg [dreg:$0x1];
	p0 =	sne.s32 s2, $0x0  }
0x2e: {  	s3 =	rddreg [dreg:$0x2];
	[bflag:$0x3] =	sbarrier.arrive $0xFFFF;
	s2 =	simm.s32 @!p0 $0x1C02  }
0x2f: {  	[timem:s3], [sflag:s2] =	dma.local @!p0 [hbm:s0], s1  }
0x30: {  	s0 =	simm.s32 @!p0 $0x2  }
0x31: {  	_ =	swait.ge @!p0 [sflag:s0], s1  }
0x32: {  	s1 =	ssub.s32 @!p0 $0x0, s1;
	[sflag:s0] =	ssyncset.done @!p0 $0x0  }
0x33: {  	[sflag:s0] =	ssyncadd.s32 @!p0 s1  }
0x34: {  	[bflag:$0x3] =	sbarrier.arrive $0xFFFF  }
0x35: {  	_ =	shalt  }

</sc_bundles>
